<compile_context>
chip_gen: v7x
topology: tpu7x:2x2x1
jax: 0.10.2.dev20260603
libtpu: 0.0.44.dev20260713+nightly
codegen_flags: <defaults>
</compile_context>

<pallas_src>
import jax
import jax.numpy as jnp
from jax import lax
from jax.experimental import pallas as pl
from jax.experimental.pallas import tpu as pltpu
from jax.experimental.pallas import tpu_sc as plsc

_L = 16
_ROWS = 7
_COLS = 256


def _body(buf_hbm, out_hbm, buf_v):
    pltpu.sync_copy(buf_hbm, buf_v)
    hdr = buf_v[pl.ds(0, _L)]
    a_sc = hdr[0].astype(jnp.int32)
    b_sc = hdr[1].astype(jnp.int32)
    addr = ((a_sc & 15) << 4) | (b_sc & 15)
    n = lax.iota(jnp.int32, _L)
    active = n < _ROWS
    flat = jnp.where(active, _L + n * _COLS + addr, 0)
    bits = plsc.load_gather(buf_v, [flat])
    shift = jnp.maximum(_ROWS - 1 - n, 0)
    w = jnp.where(active, (jnp.int32(1) << shift).astype(jnp.float32), 0.0)
    total = jnp.sum(bits * w)
    buf_v[pl.ds(0, _L)] = jnp.full((_L,), 1.0, jnp.float32) * total
    pltpu.sync_copy(buf_v.at[pl.ds(0, _L)], out_hbm)


_sc_call = pl.kernel(
    _body,
    out_type=jax.ShapeDtypeStruct((_L,), jnp.float32),
    mesh=plsc.VectorSubcoreMesh(
        core_axis_name="c", subcore_axis_name="s", num_cores=1, num_subcores=1
    ),
    compiler_params=pltpu.CompilerParams(needs_layout_passes=False),
    scratch_types=[
        pltpu.VMEM((_L + _ROWS * _COLS,), jnp.float32),
    ],
)


def kernel(a, b, memory):
    hdr = jnp.zeros((_L,), jnp.float32)
    hdr = hdr.at[0].set(jnp.asarray(a, jnp.float32)).at[1].set(
        jnp.asarray(b, jnp.float32)
    )
    buf = jnp.concatenate([hdr, memory.reshape(-1)])
    out = _sc_call(buf)
    return out[0]

# --- scband reference (transcript-rebuilt; emitter-appended) ---
"""Pipeline reference for scband-learned-digit-multiplier-25383256719717 (READ-ONLY COPY).

The authoritative reference and input builder live on the scoring server;
editing this copy changes nothing except your own understanding.
"""

import jax, jax.numpy as jnp
import numpy as np

# LearnedDigitMultiplier: a WNN/RAM-based (weightless) multiplier.
# The RAMLayer has 7 neurons, each addressing all 8 input bits (4 bits of a, 4 bits of b),
# i.e. each neuron owns a 2^8 = 256-entry RAM storing one output bit.
# After train_all(), memory[n, addr(a,b)] holds bit (6-n) of a*b for a,b in [0,10).
# We materialize that trained memory as the learned parameter and implement forward
# as an address computation + gather + bit recombination.

def _addr(a, b):
    a_bits = [(a >> i) & 1 for i in range(3, -1, -1)]
    b_bits = [(b >> i) & 1 for i in range(3, -1, -1)]
    addr = 0
    for bit in a_bits + b_bits:
        addr = (addr << 1) | bit
    return addr

def _build_memory():
    mem = np.zeros((7, 256), dtype=np.float32)
    for a in range(10):
        for b in range(10):
            product = a * b
            addr = _addr(a, b)
            for n in range(7):
                mem[n, addr] = float((product >> (6 - n)) & 1)
    return jnp.asarray(mem)

def setup_inputs() -> dict:
    # a, b are non-tensor scalar ints per the forward signature
    return {"a": 7, "b": 6, "memory": _build_memory()}

def reference(a, b, memory):
    # forward(a: int, b: int) -> int
    addr = _addr(a, b)
    out_bits = memory[:, addr]  # gather of the 7 RAM neurons at the computed address
    weights = jnp.asarray([float(1 << (6 - i)) for i in range(7)], dtype=jnp.float32)
    result = jnp.sum(out_bits * weights)  # sum(bit_i << (6-i))
    return result

if __name__ == "__main__":
    import jax
    _d = setup_inputs()
    print(jax.jit(kernel)(*tuple(_d.values())))

</pallas_src>

<mosaic_0001>
#map = affine_map<(d0, d1) -> (0)>
module attributes {stable_mosaic.version = 14 : i64} {
  func.func @_body(%arg0: i32, %arg1: i32, %arg2: memref<1808xf32, #tpu.memory_space<hbm>>, %arg3: memref<16xf32, #tpu.memory_space<hbm>>, %arg4: memref<1808xf32, #tpu.memory_space<vmem>>) attributes {dimension_semantics = [#tpu.dimension_semantics<core_parallel>, #tpu.dimension_semantics<subcore_parallel>], iteration_bounds = array<i64: 1, 1>, scalar_prefetch = 0 : i64, scratch_operands = 1 : i64, tpu.core_type = #tpu.core_type<sc_vector_subcore>, window_params = [{transform_indices = #map}, {transform_indices = #map}]} {
    "tpu.region"() ({
      %run_scoped3A = tpu.sem_alloc : memref<!tpu.dma_semaphore, #tpu.memory_space<semaphore_mem>>
      tpu.enqueue_dma source(%arg2 : memref<1808xf32, #tpu.memory_space<hbm>>) target(%arg4 : memref<1808xf32, #tpu.memory_space<vmem>>) target_semaphore(%run_scoped3A : memref<!tpu.dma_semaphore, #tpu.memory_space<semaphore_mem>>)
      tpu.wait_dma2 semaphore(%run_scoped3A : memref<!tpu.dma_semaphore, #tpu.memory_space<semaphore_mem>>) src(%arg2 : memref<1808xf32, #tpu.memory_space<hbm>>) dst(%arg4 : memref<1808xf32, #tpu.memory_space<vmem>>)
      tpu.yield
    }) : () -> ()
    %get3A = arith.constant 0 : index
    %get3A_0 = tpu.vector_load %arg4[%get3A] {strides = array<i32>} : memref<1808xf32, #tpu.memory_space<vmem>>, vector<16xf32>,
    %slice3A = vector.extract_strided_slice %get3A_0 {offsets = [0], sizes = [1], strides = [1]} : vector<16xf32> to vector<1xf32>
    %squeeze3A = vector.extract %slice3A[0] : f32 from vector<1xf32>
    %convert_element_type3A = arith.fptosi %squeeze3A : f32 to i32
    %slice3A_1 = vector.extract_strided_slice %get3A_0 {offsets = [1], sizes = [1], strides = [1]} : vector<16xf32> to vector<1xf32>
    %squeeze3A_2 = vector.extract %slice3A_1[0] : f32 from vector<1xf32>
    %convert_element_type3A_3 = arith.fptosi %squeeze3A_2 : f32 to i32
    %and3A = arith.constant 15 : i32
    %and3A_4 = arith.andi %convert_element_type3A, %and3A : i32
    %shift_left3A = arith.constant 4 : i32
    %shift_left3A_5 = arith.shli %and3A_4, %shift_left3A : i32
    %and3A_6 = arith.constant 15 : i32
    %and3A_7 = arith.andi %convert_element_type3A_3, %and3A_6 : i32
    %or3A = arith.ori %shift_left3A_5, %and3A_7 : i32
    %iota3A = tpu.iota {dimensions = array<i32: 0>} : vector<16xi32>
    %lt3A = arith.constant 7 : i32
    %lt3A_8 = vector.broadcast %lt3A : i32 to vector<16xi32>
    %lt3A_9 = arith.cmpi slt, %iota3A, %lt3A_8 : vector<16xi32>
    %mul3A = arith.constant 256 : i32
    %mul3A_10 = vector.broadcast %mul3A : i32 to vector<16xi32>
    %mul3A_11 = arith.muli %iota3A, %mul3A_10 : vector<16xi32>
    %add3A = arith.constant 16 : i32
    %add3A_12 = vector.broadcast %add3A : i32 to vector<16xi32>
    %add3A_13 = arith.addi %add3A_12, %mul3A_11 : vector<16xi32>
    %add3A_14 = vector.broadcast %or3A : i32 to vector<16xi32>
    %add3A_15 = arith.addi %add3A_13, %add3A_14 : vector<16xi32>
    %jit3A = arith.constant 0 : i32
    %broadcast_in_dim3A = vector.broadcast %jit3A : i32 to vector<16xi32>
    %select_n3A = arith.select %lt3A_9, %add3A_15, %broadcast_in_dim3A : vector<16xi1>, vector<16xi32>
    %gather3A = tpu.vector_load_idx %arg4[%select_n3A] : memref<1808xf32, #tpu.memory_space<vmem>>[vector<16xi32>], vector<16xf32>,
    %sub3A = arith.constant 6 : i32
    %sub3A_16 = vector.broadcast %sub3A : i32 to vector<16xi32>
    %sub3A_17 = arith.subi %sub3A_16, %iota3A : vector<16xi32>
    %max3A = arith.constant 0 : i32
    %max3A_18 = vector.broadcast %max3A : i32 to vector<16xi32>
    %max3A_19 = arith.maxsi %sub3A_17, %max3A_18 : vector<16xi32>
    %shift_left3A_20 = arith.constant 1 : i32
    %shift_left3A_21 = vector.broadcast %shift_left3A_20 : i32 to vector<16xi32>
    %shift_left3A_22 = arith.shli %shift_left3A_21, %max3A_19 : vector<16xi32>
    %convert_element_type3A_23 = arith.sitofp %shift_left3A_22 : vector<16xi32> to vector<16xf32>
    %jit3A_24 = arith.constant 0.000000e+00 : f32
    %broadcast_in_dim3A_25 = vector.broadcast %jit3A_24 : f32 to vector<16xf32>
    %select_n3A_26 = arith.select %lt3A_9, %convert_element_type3A_23, %broadcast_in_dim3A_25 : vector<16xi1>, vector<16xf32>
    %mul3A_27 = arith.mulf %gather3A, %select_n3A_26 : vector<16xf32>
    %reduce_sum3A = arith.constant true
    %reduce_sum3A_28 = vector.broadcast %reduce_sum3A : i1 to vector<16xi1>
    %reduce_sum3A_29 = tpu.scan <sum>, %mul3A_27 masked %reduce_sum3A_28 : vector<16xf32>, vector<16xi1> -> vector<16xf32>
    %reduce_sum3A_30 = vector.extract %reduce_sum3A_29[15] : f32 from vector<16xf32>
    %broadcast_in_dim3A_31 = arith.constant 1.000000e+00 : f32
    %broadcast_in_dim3A_32 = vector.broadcast %broadcast_in_dim3A_31 : f32 to vector<16xf32>
    %mul3A_33 = vector.broadcast %reduce_sum3A_30 : f32 to vector<16xf32>
    %mul3A_34 = arith.mulf %broadcast_in_dim3A_32, %mul3A_33 : vector<16xf32>
    %swap3A = arith.constant 0 : index
    %swap3A_35 = tpu.vector_load %arg4[%swap3A] {strides = array<i32>} : memref<1808xf32, #tpu.memory_space<vmem>>, vector<16xf32>,
    tpu.vector_store %arg4[%swap3A], %mul3A_34 {strides = array<i32>} : memref<1808xf32, #tpu.memory_space<vmem>>, vector<16xf32>,
    "tpu.region"() ({
      %run_scoped3A = tpu.sem_alloc : memref<!tpu.dma_semaphore, #tpu.memory_space<semaphore_mem>>
      %dma_start3A = arith.constant 0 : i32
      %dma_start3A_36 = tpu.memref_slice %arg4[%dma_start3A] : memref<1808xf32, #tpu.memory_space<vmem>> -> memref<16xf32, #tpu.memory_space<vmem>>
      %dma_start3A_37 = arith.constant 0 : i32
      %dma_start3A_38 = tpu.memref_slice %arg4[%dma_start3A_37] : memref<1808xf32, #tpu.memory_space<vmem>> -> memref<16xf32, #tpu.memory_space<vmem>>
      tpu.enqueue_dma source(%dma_start3A_38 : memref<16xf32, #tpu.memory_space<vmem>>) target(%arg3 : memref<16xf32, #tpu.memory_space<hbm>>) target_semaphore(%run_scoped3A : memref<!tpu.dma_semaphore, #tpu.memory_space<semaphore_mem>>)
      %dma_wait3A = arith.constant 0 : i32
      %dma_wait3A_39 = tpu.memref_slice %arg4[%dma_wait3A] : memref<1808xf32, #tpu.memory_space<vmem>> -> memref<16xf32, #tpu.memory_space<vmem>>
      %dma_wait3A_40 = arith.constant 0 : i32
      %dma_wait3A_41 = tpu.memref_slice %arg4[%dma_wait3A_40] : memref<1808xf32, #tpu.memory_space<vmem>> -> memref<16xf32, #tpu.memory_space<vmem>>
      tpu.wait_dma2 semaphore(%run_scoped3A : memref<!tpu.dma_semaphore, #tpu.memory_space<semaphore_mem>>) src(%dma_wait3A_41 : memref<16xf32, #tpu.memory_space<vmem>>) dst(%arg3 : memref<16xf32, #tpu.memory_space<hbm>>)
      tpu.yield
    }) : () -> ()
    return
  }
}

</mosaic_0001>

<sc_bundles>
// kernel: kernel.3.cloned.1.call-start
scs
__scs_entry_jumppad:
0x0: {  	(pc) =	sbr.rel $0x88, $3  }
0x1: {  	(tag) =	ssettag $0x0;
	lr =	simm.s32 $0x1  }
0x2: {  	[smem:$0x3F9E] =	sst lr;
	_ =	strace $0xD0000000  }
0x3: {  	_ = 	snop  }
0x4: {  	_ = 	snop  }
0x5: {  	_ = 	snop  }
0x6: {  	_ = 	snop  }
0x7: {  	_ = 	snop  }
__scs_overlays_trampoline_lowered:
0x8: {  	[smem:$0x3FAD] =	sst s0  }
0x9: {  	[smem:$0x3FAE] =	sst s1  }
0xa: {  	[smem:$0x3FAF] =	sst s2  }
0xb: {  	[smem:$0x3FB0] =	sst s3  }
0xc: {  	[smem:$0x3FB1] =	sst s4  }
0xd: {  	[smem:$0x3FB2] =	sst s5  }
0xe: {  	[smem:$0x3FB3] =	sst s6  }
0xf: {  	[smem:$0x3FB4] =	sst s7  }
0x10: {  	[smem:$0x3FB5] =	sst s8  }
0x11: {  	[smem:$0x3FB6] =	sst s9;
	s0 =	simm.s32 @!p0 $0x0  }
0x12: {  	s1 =	sld [smem:$0x3F9C];
	s0 =	simm.s32 @p0 $0x1  }
0x13: {  	[smem:$0x3FB7] =	sst s0;
	s0 =	simm.s32 @!p1 $0x0  }
0x14: {  	s2 =	sld [smem:$0x3F9B];
	s0 =	simm.s32 @p1 $0x1  }
0x15: {  	[smem:$0x3FB8] =	sst s0;
	s0 =	simm.s32 @!p2 $0x0  }
0x16: {  	s3 =	sld [smem:$0x3FDB];
	s0 =	simm.s32 @p2 $0x1  }
0x17: {  	s4 =	simm.s32 $0x1BF5;
	[smem:$0x3FBA] =	sst s0  }
0x18: {  	s0 =	sld [smem:$0x3F9D];
	_ =	swait.ge [sflag:s4], $0x0  }
0x19: {  	s7 =	sld [smem:$0x3F9E]  }
0x1a: {  	s8 =	sadd.s32 $0xFFFFE003, lr  }
0x1b: {  	s9 =	sadd.s32 $0xFFFFFEF7, lr;
	s5 =	simm.s32 $0xFFFFFFFF;
	p2 =	slt.u32 s8, $0xFFFFF086  }
0x1c: {  	p1 =	slt.u32 s9, $0xF7A;
	s5 =	simm.s32 @!p2 $0x0  }
0x1d: {  	s5 =	simm.s32 @p1 $0x1;
	p0 =	seq.s32 s7, s2  }
0x1e: {  	s7 =	smul.u32 @!p0 $0xF7A, s2;
	p2 =	seq.s32 @!p0 s5, $0x0  }
0x1f: {  	s9 =	smul.u32 $0xF7A, s1;
	s8 =	simm.s32 @!p0 $0x1BF5;
	p2 =	por !p2, p0  }
0x20: {  	[sflag:s8] =	ssyncset.s32 @!p0 $0xFFFFF086;
	s6 =	sadd.s32 @!p0 s3, s7;
	s7 =	simm.s32 @!p0 $0x108  }
0x21: {  	s3 =	sadd.s32 s3, s9;
	s6 =	sadd.s32 @!p0 $0x88, s6;
	s7 =	simm.s32 @p2 $0x1082  }
0x22: {  	[simem:s7], [sflag:s8] =	dma.local @!p0 [hbm:s6], $0xF7A  }
0x23: {  	s9 =	sor.u32 $0xD0000000, s2;
	s6 =	simm.s32 $0x108;
	_ =	swait.ge @!p0 [sflag:s8], $0x0  }
0x24: {  	s3 =	sadd.s32 $0x88, s3;
	s6 =	simm.s32 @!p1 $0x1082;
	[sflag:s4] =	ssyncset.s32 $0xFFFFF086  }
0x25: {  	[simem:s6], [sflag:s4] =	dma.local [hbm:s3], $0xF7A  }
0x26: {  	[smem:$0x3F9E] =	sst s1;
	(tag) =	ssettag s2;
	_ =	strace s9  }
0x27: {  	s1 =	sld [smem:$0x3FAE]  }
0x28: {  	s2 =	sld [smem:$0x3FAF]  }
0x29: {  	s4 =	sld [smem:$0x3FB1]  }
0x2a: {  	p0 =	seq.s32 s5, $0x0;
	s5 =	sld [smem:$0x3FB2]  }
0x2b: {  	s6 =	sld [smem:$0x3FB3]  }
0x2c: {  	s7 =	sld [smem:$0x3FB4]  }
0x2d: {  	s3 =	simm.s32 $0x108;
	s8 =	sld [smem:$0x3FB5]  }
0x2e: {  	s3 =	simm.s32 @!p0 $0x1082;
	s9 =	sld [smem:$0x3FB6]  }
0x2f: {  	lr =	sadd.s32 s0, s3;
	s0 =	sld [smem:$0x3FAD]  }
0x30: {  	s3 =	sld [smem:$0x3FB0]  }
0x31: {  	[smem:$0x3FB9] =	sst s10  }
0x32: {  	s10 =	sld [smem:$0x3FB7];
	_ =	sdelay $0x3  }
0x33: {  	p0 =	seq.s32 s10, $0x1;
	s10 =	sld [smem:$0x3FB9];
	_ =	sdelay $0x3  }
0x34: {  	[smem:$0x3FB9] =	sst s10  }
0x35: {  	s10 =	sld [smem:$0x3FB8];
	_ =	sdelay $0x3  }
0x36: {  	p1 =	seq.s32 s10, $0x1;
	s10 =	sld [smem:$0x3FB9];
	_ =	sdelay $0x3  }
0x37: {  	[smem:$0x3FB9] =	sst s10  }
0x38: {  	s10 =	sld [smem:$0x3FBA]  }
0x39: {  	_ = 	snop;
	(pc) =	sbr.ind lr, $3  }
0x3a: {  	_ = 	snop  }
0x3b: {  	_ = 	snop  }
0x3c: {  	p2 =	seq.s32 s10, $0x1;
	s10 =	sld [smem:$0x3FB9]  }
0x3d: {  	_ =	shalt  }
0x3e: {  	_ =	shalt  }
0x3f: {  	_ =	shalt  }
0x40: {  	_ =	shalt  }
0x41: {  	_ =	shalt  }
0x42: {  	_ =	shalt  }
0x43: {  	_ =	shalt  }
0x44: {  	_ =	shalt  }
0x45: {  	_ =	shalt  }
0x46: {  	_ =	shalt  }
0x47: {  	_ =	shalt  }
0x48: {  	_ =	shalt  }
0x49: {  	_ =	shalt  }
0x4a: {  	_ =	shalt  }
0x4b: {  	_ =	shalt  }
0x4c: {  	_ =	shalt  }
0x4d: {  	_ =	shalt  }
0x4e: {  	_ =	shalt  }
0x4f: {  	_ =	shalt  }
0x50: {  	_ =	shalt  }
0x51: {  	_ =	shalt  }
0x52: {  	_ =	shalt  }
0x53: {  	_ =	shalt  }
0x54: {  	_ =	shalt  }
0x55: {  	_ =	shalt  }
0x56: {  	_ =	shalt  }
0x57: {  	_ =	shalt  }
0x58: {  	_ =	shalt  }
0x59: {  	_ =	shalt  }
0x5a: {  	_ =	shalt  }
0x5b: {  	_ =	shalt  }
0x5c: {  	_ =	shalt  }
0x5d: {  	_ =	shalt  }
0x5e: {  	_ =	shalt  }
0x5f: {  	_ =	shalt  }
0x60: {  	_ =	shalt  }
0x61: {  	_ =	shalt  }
0x62: {  	_ =	shalt  }
0x63: {  	_ =	shalt  }
0x64: {  	_ =	shalt  }
0x65: {  	_ =	shalt  }
0x66: {  	_ =	shalt  }
0x67: {  	_ =	shalt  }
0x68: {  	_ =	shalt  }
0x69: {  	_ =	shalt  }
0x6a: {  	_ =	shalt  }
0x6b: {  	_ =	shalt  }
0x6c: {  	_ =	shalt  }
0x6d: {  	_ =	shalt  }
0x6e: {  	_ =	shalt  }
0x6f: {  	_ =	shalt  }
0x70: {  	_ =	shalt  }
0x71: {  	_ =	shalt  }
0x72: {  	_ =	shalt  }
0x73: {  	_ =	shalt  }
0x74: {  	_ =	shalt  }
0x75: {  	_ =	shalt  }
0x76: {  	_ =	shalt  }
0x77: {  	_ =	shalt  }
0x78: {  	_ =	shalt  }
0x79: {  	_ =	shalt  }
0x7a: {  	_ =	shalt  }
0x7b: {  	_ =	shalt  }
0x7c: {  	_ =	shalt  }
0x7d: {  	_ =	shalt  }
0x7e: {  	_ =	shalt  }
0x7f: {  	_ =	shalt  }
0x80: {  	_ =	shalt  }
0x81: {  	_ =	shalt  }
0x82: {  	_ =	shalt  }
0x83: {  	_ =	shalt  }
0x84: {  	_ =	shalt  }
0x85: {  	_ =	shalt  }
0x86: {  	_ =	shalt  }
0x87: {  	_ =	shalt  }
.Lfunc_end0:
.L_simem_size_0:
called_computation_lowered:
.L_overlay_start_0:
0x88: {  	s0 =	sld [smem:$0x3FD9]  }
0x89: {  	s1 =	sld [smem:$0x3FFE];
	_ =	sdelay $0x3  }
0x8a: {  	s0 =	sadd.s32 s1, s0  }
0x8b: {  	[smem:$0x3FC5] =	sst s0  }
0x8c: {  	_ = 	snop  }
0x8d: {  	s0 =	sld [smem:$0x3FD0];
	(tm) =	ssettm $0x1  }
0x8e: {  	s16 =	sld [smem:$0x3FFB];
	_ =	sdelay $0x3  }
0x8f: {  	_ =	strace s16  }
0x90: {  	s1 =	sld [smem:$0x3FFC];
	_ =	sdelay $0x3  }
0x91: {  	_ =	strace s1  }
0x92: {  	s1 =	sld [smem:$0x3FFD];
	_ =	sdelay $0x3  }
0x93: {  	_ =	strace s1  }
0x94: {  	_ =	strace $0x8FFFFFFF  }
0x95: {  	s17 =	sld [smem:$0x3FDB];
	_ =	sdelay $0x1  }
0x96: {  	s2 =	simm.s32 $_scs_section_size  }
0x97: {  	s3 =	simm.s32 $_size__tile_overlayer_lowered;
	s4 =	simm.s32 $_tile_overlayer_lowered  }
0x98: {  	s20 =	simm.s32 $0x1BFF;
	s19 =	sshll.u32 s4, $0x1;
	s1 =	sadd.s32 s2, s17  }
0x99: {  	s5 =	simm.s32 $0x0;
	s18 =	sshll.u32 s3, $0x1;
	s3 =	sadd.s32 s19, s1  }
0x9a: {  	[timem:s5], [sflag:s20] =	dma.local [hbm:s3], s18  }
0x9b: {  	_ =	swait.ge [sflag:s20], s18  }
0x9c: {  	s2 =	ssub.s32 $0x0, s18;
	[sflag:s20] =	ssyncset.done $0x0  }
0x9d: {  	[sflag:s20] =	ssyncadd.s32 s2;
	_ =	sdelay $0x1  }
0x9e: {  	s21 =	simm.s32 $0x1B8B  }
0x9f: {  	_ =	swait.ge [sflag:s21], $0x1  }
0xa0: {  	[sflag:s21] =	ssyncset.done $0x0  }
0xa1: {  	s23 =	simm.s32 $0x1B8E;
	s22 =	sld [smem:$0x3FFE];
	[sflag:s21] =	ssyncadd.s32 $0xFFFFFFFF  }
0xa2: {  	s24 =	simm.s32 $execute0_lowered;
	[smem:$0x3FD2] =	sst s23  }
0xa3: {  	s3 =	sshll.u32 s24, $0x1;
	_ =	strace $0x80000046;
	[dreg:$0x1] =	wrdreg $0xFFFFFFFF  }
0xa4: {  	s25 =	simm.s32 $_size_execute0_lowered;
	s1 =	sadd.s32 s1, s3;
	[dreg:$0x0] =	wrdreg $0x0  }
0xa5: {  	s3 =	sshll.u32 s25, $0x1;
	[dreg:$0x2] =	wrdreg s1  }
0xa6: {  	[dreg:$0x3] =	wrdreg s3  }
0xa7: {  	[dreg:$0x4] =	wrdreg $0xC0  }
0xa8: {  	_ =	task [dreg:s5], $0x5FFFF  }
0xa9: {  	[dreg:$0x1] =	wrdreg $0xFFFFFFFF  }
0xaa: {  	[dreg:$0x0] =	wrdreg $0x60  }
0xab: {  	[dreg:$0x2] =	wrdreg s22  }
0xac: {  	[dreg:$0x3] =	wrdreg s0  }
0xad: {  	[dreg:$0x4] =	wrdreg $0x9  }
0xae: {  	_ =	task.clear_ibuf [dreg:s5], $0x5FFFF;
	_ =	strace $0x90000046  }
0xaf: {  	s26 =	simm.s32 $0x9;
	_ =	strace $0x80000048  }
0xb0: {  	_ =	swait.ge [sflag:s26], $0x1  }
0xb1: {  	[sflag:s26] =	ssyncadd.s32 $0xFFFFFFFF  }
0xb2: {  	_ =	strace $0x90000048  }
0xb3: {  	_ =	sfence  }
0xb4: {  	s28 =	sld [smem:$0x0];
	_ =	sdelay $0x1  }
0xb5: {  	s29 =	srdreg.scid  }
0xb6: {  	s30 =	sshll.u32 s29, $0xD;
	s31 =	sshrl.u32 s29, $0x2  }
0xb7: {  	s2 =	sand.u32 $0x4000, s30;
	s1 =	sand.u32 $0x1, s29;
	s0 =	sadd.s32 s31, s28  }
0xb8: {  	s1 =	sor.u32 s2, s1;
	s0 =	sshll.u32 s0, $0x11  }
0xb9: {  	s0 =	sor.u32 s0, s1  }
0xba: {  	s0 =	sadd.s32 $0x8F2B, s0  }
0xbb: {  	[sflag:s0] =	ssyncadd.remote.s32 $0x1  }
0xbc: {  	_ =	sfence.sel $0xFFFF  }
0xbd: {  	[dreg:$0x0] =	wrdreg $0xFFFFFFFF;
	(pc) =	sbr.abs _section_cstart, $3  }
0xbe: {  	[dreg:$0x1] =	wrdreg $0xFFFFFFFF  }
0xbf: {  	_ =	task.clear_ibuf [dreg:s5], $0x2FFFF;
	_ =	strace $0x9FFFFFFF  }
0xc0: {  	(tm) =	ssettm $0x7FFFFFFF  }
0xc1: {  	_ =	shalt  }
tec
execute0_lowered:
.L_overlay_start_1:
0x0: {  	(tag) =	ssettag $0x1  }
0x1: {  	s0 =	rddreg [dreg:$0x0]  }
0x2: {  	s1 =	rddreg [dreg:$0x1];
	s2 =	stileid.u32  }
0x3: {  	s3 =	rddreg [dreg:$0x2];
	p0 =	sne.s32 s2, $0x0  }
0x4: {  	_ =	strace $0x80000047;
	s0 =	sadd.s32 $0x600, s0;
	s2 =	simm.s32 @!p0 $0x0  }
0x5: {  	[tilespmem:s2], [sflag:$0x1] =	stream.linear.gather @!p0 [hbm4b:s0+s2], $0x780, $0x38;
	[tilespmem:$0x780] =	vst v63  }
0x6: {  	s0 =	simm.s32 @!p0 $0x1  }
0x7: {  	_ =	swait.ge @!p0 [sflag:s0], $0x780  }
0x8: {  	[sflag:s0] =	ssyncset.done @!p0 $0x0  }
0x9: {  	[sflag:s0] =	ssyncadd.s32 @!p0 $0xFFFFF880  }
0xa: {  	v0 =	vld @!p0 [tilespmem:$0x0];
	_ =	sdelay $0x4  }
0xb: {  	(v2sf) =	vpush @!p0 v0, $0x0  }
0xc: {  	(v2sf) =	vpush @!p0 v0, $0x1;
	_ =	sdelay $0xd  }
0xd: {  	s4 =	spop @!p0 (v2sf)  }
0xe: {  	s4 =	scvt.f32.s32 @!p0 s4;
	s5 =	spop @!p0 (v2sf)  }
0xf: {  	v0 =	vlaneseq.u32 @!p0;
	s5 =	scvt.f32.s32 @!p0 s5  }
0x10: {  	v0 =	vmul.u32 @!p0 $0x100, v0;
	s4 =	sshll.u32 @!p0 s4, $0x4  }
0x11: {  	s4 =	sand.u32 @!p0 $0xF0, s4;
	s5 =	sand.u32 @!p0 $0xF, s5  }
0x12: {  	v0 =	vor.u32 @!p0 $0x10, v0;
	s4 =	sor.u32 @!p0 s5, s4  }
0x13: {  	vm0 =	vmmov @!p0 $0x7f;
	v0 =	vadd.s32 @!p0 s4, v0  }
0x14: {  	v0 =	vnsel @!p0 vm0, $0x0, v0;
	_ =	sdelay $0x1  }
0x15: {  	v1 =	vimm.f32 @!p0 $0.0e+00;
	vm0 =	vcmask @!p0 $0x300  }
0x16: {  	v1 =	vsel @!p0 vm0, $0x42800000, v1;
	vm0 =	vcmask @!p0 $0x704  }
0x17: {  	v1 =	vsel @!p0 vm0, $0x42000000, v1;
	vm0 =	vcmask @!p0 $0xB08  }
0x18: {  	v1 =	vsel @!p0 vm0, $0x41800000, v1;
	vm0 =	vcmask @!p0 $0xF0C;
	v0 =	vld.idx.msk @!p0 [tilespmem:v0+s2+$0x0], $0xffff  }
0x19: {  	v1 =	vsel @!p0 vm0, $0x41000000, v1;
	vm0 =	vcmask @!p0 $0x1310  }
0x1a: {  	v1 =	vsel @!p0 vm0, $0x40800000, v1;
	vm0 =	vcmask @!p0 $0x1714  }
0x1b: {  	v1 =	vsel @!p0 vm0, $0x40000000, v1;
	vm0 =	vcmask @!p0 $0x1B18  }
0x1c: {  	v1 =	vsel @!p0 vm0, $0x3F800000, v1  }
0x1d: {  	v0 =	vmul.f32 @!p0 v1, v0;
	_ =	sdelay $0x1  }
0x1e: {  	(xrf2) =	vadd.scan.msk.f32 @!p0 $0xffff, v0;
	_ =	sdelay $0x9  }
0x1f: {  	v0, _, _ =	vpop @!p0 (xrf2)  }
0x20: {  	v0 =	vbroadcast @!p0 v0, $0xF;
	_ =	sdelay $0x1  }
0x21: {  	[tilespmem:$0x0] =	vst @!p0 v0  }
0x22: {  	[hbm4b:s1+s2] =	stream.linear.scatter @!p0 [tilespmem:s2], [sflag:$0x1], $0x10, $0x38;
	[tilespmem:$0x780] =	vst v63  }
0x23: {  	_ =	swait.ge @!p0 [sflag:s0], $0x10  }
0x24: {  	[sflag:s0] =	ssyncset.done @!p0 $0x0  }
0x25: {  	[sflag:s0] =	ssyncadd.s32 @!p0 $0xFFFFFFF0  }
0x26: {  	_ =	sfence.sel $0x180000  }
0x27: {  	[bflag:$0x0] =	sbarrier.arrive $0xFFFF  }
0x28: {  	_ =	strace $0x90000047  }
0x29: {  	s0 =	sadd.s32 @!p0 $0x100000, s3;
	[bflag:$0x2] =	sbarrier.arrive $0xFFFF  }
0x2a: {  	[sflag:s0] =	ssyncadd.tile.s32 @!p0 $0x1;
	_ =	shalt  }
.Lfunc_end2:
_tile_overlayer_lowered:
.L_overlay_start_2:
0x2b: {  	(tag) =	ssettag $0x2  }
0x2c: {  	s0 =	rddreg [dreg:$0x0];
	s2 =	stileid.u32  }
0x2d: {  	s1 =	rddreg [dreg:$0x1];
	p0 =	sne.s32 s2, $0x0  }
0x2e: {  	s3 =	rddreg [dreg:$0x2];
	[bflag:$0x3] =	sbarrier.arrive $0xFFFF;
	s2 =	simm.s32 @!p0 $0x1C01  }
0x2f: {  	[timem:s3], [sflag:s2] =	dma.local @!p0 [hbm:s0], s1  }
0x30: {  	s0 =	simm.s32 @!p0 $0x1  }
0x31: {  	_ =	swait.ge @!p0 [sflag:s0], s1  }
0x32: {  	s1 =	ssub.s32 @!p0 $0x0, s1;
	[sflag:s0] =	ssyncset.done @!p0 $0x0  }
0x33: {  	[sflag:s0] =	ssyncadd.s32 @!p0 s1  }
0x34: {  	[bflag:$0x3] =	sbarrier.arrive $0xFFFF  }
0x35: {  	_ =	shalt  }

</sc_bundles>
